<compile_context>
chip_gen: v7x
topology: tpu7x:2x2x1
jax: 0.10.2.dev20260603
libtpu: 0.0.44.dev20260713+nightly
codegen_flags: <defaults>
</compile_context>

<pallas_src>
import functools

import jax
import jax.numpy as jnp
from jax import lax
from jax.experimental import pallas as pl
from jax.experimental.pallas import tpu as pltpu
from jax.experimental.pallas import tpu_sc as plsc

_PASSES = 3


def _softplus(v):
    return jnp.maximum(v, 0.0) + jnp.log(1.0 + jnp.exp(-jnp.abs(v)))


def _sc_gather_chunks(inputs, targets):
    b, n = inputs.shape
    nchunk = n // 128
    info = plsc.get_sparse_core_info()
    nw = info.num_cores * info.num_subcores
    per_w = b // nw
    xr = inputs.reshape(b * nchunk, 128)
    mesh = plsc.VectorSubcoreMesh(core_axis_name="c", subcore_axis_name="s")

    @functools.partial(
        pl.kernel, mesh=mesh,
        out_type=jax.ShapeDtypeStruct((b, 128), jnp.float32),
        scratch_types=[
            pltpu.VMEM((per_w,), jnp.int32),
            pltpu.VMEM((per_w,), jnp.int32),
            pltpu.VMEM((per_w, 128), jnp.float32),
            pltpu.SemaphoreType.DMA,
        ],
    )
    def sc_gather(x_hbm, tgt_hbm, out_hbm, tgt_v, idx_v, rows_v, sem):
        wid = lax.axis_index("s") * info.num_cores + lax.axis_index("c")
        base = wid * per_w
        pltpu.sync_copy(tgt_hbm.at[pl.ds(base, per_w)], tgt_v)
        for g in range(per_w // 16):
            row = base + g * 16 + lax.iota(jnp.int32, 16)
            t16 = tgt_v[pl.ds(g * 16, 16)]
            idx_v[pl.ds(g * 16, 16)] = row * nchunk + (t16 >> 7)
        pltpu.async_copy(x_hbm.at[idx_v], rows_v, sem).wait()
        pltpu.sync_copy(rows_v, out_hbm.at[pl.ds(base, per_w)])

    return sc_gather(xr, targets)


def _block_body(x_ref, t_ref, xc_ref, out_ref, *, rows, cols, k, inv_denom):
    x = x_ref[...]
    tgt = t_ref[...]
    x0 = x[:, 0:1]
    m1 = jnp.where(tgt != 0, 1.0, 0.0)
    kf = jnp.float32(k)
    shape = (rows, 1)
    lane = jax.lax.broadcasted_iota(jnp.int32, (rows, 128), 1)
    xt = jnp.sum(jnp.where(lane == (tgt & 127), xc_ref[...], 0.0),
                 axis=1, keepdims=True)

    def ind(v, t):
        return jnp.where(v > t, 1.0, 0.0)

    lo = jnp.full(shape, -16.0, jnp.float32)
    hi = jnp.full(shape, 16.0, jnp.float32)
    cl = jnp.full(shape, cols - 1, jnp.float32)
    ch = jnp.zeros(shape, jnp.float32)
    for _ in range(_PASSES - 1):
        frac = jnp.clip((cl - kf) / (cl - ch), 0.03, 0.97)
        mid = lo + (hi - lo) * frac
        cfull = jnp.sum(jnp.where(x > mid, 1.0, 0.0), axis=1, keepdims=True)
        c = cfull - ind(x0, mid) - m1 * (ind(xt, mid) - ind(-xt, mid))
        ge = c >= kf
        lo = jnp.where(ge, mid, lo)
        cl = jnp.where(ge, c, cl)
        hi = jnp.where(ge, hi, mid)
        ch = jnp.where(ge, ch, c)
    thr = lo + (hi - lo) * ((cl - kf) / (cl - ch))
    sp_thr = _softplus(thr)

    def fix(v):
        return jnp.where(v > thr, _softplus(v) - sp_thr, 0.0)

    sfull = jnp.sum(jnp.where(x > thr, _softplus(x) - sp_thr, 0.0),
                    axis=1, keepdims=True)
    s_y = sfull - fix(x0) - m1 * (fix(xt) - fix(-xt))
    neg = s_y + kf * sp_thr
    pos = jnp.where(tgt == 0, _softplus(-x0), _softplus(x0))
    partial = jnp.sum(pos + neg) * inv_denom

    @pl.when(pl.program_id(0) == 0)
    def _init():
        out_ref[...] = jnp.zeros_like(out_ref)

    out_ref[...] += jnp.full(out_ref.shape, partial, jnp.float32)


def kernel(inputs, targets):
    b, n = inputs.shape
    k = int(0.5 * (n - 1))
    rows = min(256, b)
    grid = b // rows
    inv_denom = 1.0 / (b * (k + 1))
    chunks = _sc_gather_chunks(inputs, targets)
    body = functools.partial(_block_body, rows=rows, cols=n, k=k,
                             inv_denom=inv_denom)
    out = pl.pallas_call(
        body,
        grid=(grid,),
        in_specs=[
            pl.BlockSpec((rows, n), lambda i: (i, 0)),
            pl.BlockSpec((rows, 1), lambda i: (i, 0)),
            pl.BlockSpec((rows, 128), lambda i: (i, 0)),
        ],
        out_specs=pl.BlockSpec((8, 128), lambda i: (0, 0)),
        out_shape=jax.ShapeDtypeStruct((8, 128), jnp.float32),
        compiler_params=pltpu.CompilerParams(
            dimension_semantics=("arbitrary",)),
    )(inputs, targets.reshape(b, 1), chunks)
    return out[0, 0]

# --- scband reference (transcript-rebuilt; emitter-appended) ---
"""Pipeline reference for scband-contrast-loss-with-hard-negative-mining-49821620633623 (READ-ONLY COPY).

The authoritative reference and input builder live on the scoring server;
editing this copy changes nothing except your own understanding.
"""

import jax, jax.numpy as jnp
import numpy as np

B = 4096
N = 8192
RATIO = 0.5


def setup_inputs(seed: int = 0) -> dict:
    key = jax.random.key(seed)
    k1, k2 = jax.random.split(key)
    inputs = jax.random.normal(k1, (B, N), dtype=jnp.float32)
    targets = jax.random.randint(k2, (B,), 0, N, dtype=jnp.int32)
    return {"inputs": inputs, "targets": targets}


def _bce_with_logits(x, labels):
    # elementwise binary_cross_entropy_with_logits, reduction='none'
    return jnp.maximum(x, 0.0) - x * labels + jnp.log1p(jnp.exp(-jnp.abs(x)))


def reference(inputs, targets):
    # targets.dim() == 1 path: scatter one-hot labels
    labels = jnp.zeros_like(inputs).at[jnp.arange(inputs.shape[0]), targets].set(1.0)
    # training path (inputs.requires_grad == True in torch): hard negative mining
    loss = _bce_with_logits(inputs, labels)
    pos_loss = loss[:, 0:1]
    k = int(RATIO * (loss.shape[-1] - 1))
    neg_loss = jax.lax.top_k(loss[:, 1:], k)[0]
    return jnp.mean(jnp.concatenate((pos_loss, neg_loss), axis=1))

if __name__ == "__main__":
    import jax
    _d = setup_inputs()
    print(jax.jit(kernel)(*tuple(_d.values())))

</pallas_src>

<mosaic_0001>
#map = affine_map<(d0, d1) -> (0, 0)>
#map1 = affine_map<(d0, d1) -> (0)>
module attributes {stable_mosaic.version = 14 : i64} {
  func.func @sc_gather(%arg0: i32, %arg1: i32, %arg2: memref<262144x128xf32, #tpu.memory_space<hbm>>, %arg3: memref<4096xi32, #tpu.memory_space<hbm>>, %arg4: memref<4096x128xf32, #tpu.memory_space<hbm>>, %arg5: memref<128xi32, #tpu.memory_space<vmem>>, %arg6: memref<128xi32, #tpu.memory_space<vmem>>, %arg7: memref<128x128xf32, #tpu.memory_space<vmem>>, %arg8: memref<!tpu.dma_semaphore, #tpu.memory_space<semaphore_mem>>) attributes {dimension_semantics = [#tpu.dimension_semantics<core_parallel>, #tpu.dimension_semantics<subcore_parallel>], iteration_bounds = array<i64: 2, 16>, scalar_prefetch = 0 : i64, scratch_operands = 4 : i64, tpu.core_type = #tpu.core_type<sc_vector_subcore>, window_params = [{transform_indices = #map}, {transform_indices = #map1}, {transform_indices = #map}]} {
    %mul3A = arith.constant 2 : i32
    %mul3A_0 = arith.muli %arg1, %mul3A : i32
    %add3A = arith.addi %mul3A_0, %arg0 : i32
    %mul3A_1 = arith.constant 128 : i32
    %mul3A_2 = arith.muli %add3A, %mul3A_1 : i32
    "tpu.region"() ({
      %run_scoped3A = tpu.sem_alloc : memref<!tpu.dma_semaphore, #tpu.memory_space<semaphore_mem>>
      %dma_start3A_155 = tpu.memref_slice %arg3[%mul3A_2] : memref<4096xi32, #tpu.memory_space<hbm>> -> memref<128xi32, #tpu.memory_space<hbm>>
      %dma_start3A_156 = tpu.memref_slice %arg3[%mul3A_2] : memref<4096xi32, #tpu.memory_space<hbm>> -> memref<128xi32, #tpu.memory_space<hbm>>
      tpu.enqueue_dma source(%dma_start3A_156 : memref<128xi32, #tpu.memory_space<hbm>>) target(%arg5 : memref<128xi32, #tpu.memory_space<vmem>>) target_semaphore(%run_scoped3A : memref<!tpu.dma_semaphore, #tpu.memory_space<semaphore_mem>>)
      %dma_wait3A_157 = tpu.memref_slice %arg3[%mul3A_2] : memref<4096xi32, #tpu.memory_space<hbm>> -> memref<128xi32, #tpu.memory_space<hbm>>
      %dma_wait3A_158 = tpu.memref_slice %arg3[%mul3A_2] : memref<4096xi32, #tpu.memory_space<hbm>> -> memref<128xi32, #tpu.memory_space<hbm>>
      tpu.wait_dma2 semaphore(%run_scoped3A : memref<!tpu.dma_semaphore, #tpu.memory_space<semaphore_mem>>) src(%dma_wait3A_158 : memref<128xi32, #tpu.memory_space<hbm>>) dst(%arg5 : memref<128xi32, #tpu.memory_space<vmem>>)
      tpu.yield
    }) : () -> ()
    %add3A_3 = arith.constant 0 : i32
    %add3A_4 = arith.addi %mul3A_2, %add3A_3 : i32
    %iota3A = tpu.iota {dimensions = array<i32: 0>} : vector<16xi32>
    %add3A_5 = vector.broadcast %add3A_4 : i32 to vector<16xi32>
    %add3A_6 = arith.addi %add3A_5, %iota3A : vector<16xi32>
    %get3A = arith.constant 0 : index
    %get3A_7 = tpu.vector_load %arg5[%get3A] {strides = array<i32>} : memref<128xi32, #tpu.memory_space<vmem>>, vector<16xi32>,
    %get3A_8 = vector.shape_cast %get3A_7 : vector<16xi32> to vector<16xi32>
    %mul3A_9 = arith.constant 64 : i32
    %mul3A_10 = vector.broadcast %mul3A_9 : i32 to vector<16xi32>
    %mul3A_11 = arith.muli %add3A_6, %mul3A_10 : vector<16xi32>
    %shift_right_arithmetic3A = arith.constant 7 : i32
    %shift_right_arithmetic3A_12 = vector.broadcast %shift_right_arithmetic3A : i32 to vector<16xi32>
    %shift_right_arithmetic3A_13 = arith.shrsi %get3A_8, %shift_right_arithmetic3A_12 : vector<16xi32>
    %add3A_14 = arith.addi %mul3A_11, %shift_right_arithmetic3A_13 : vector<16xi32>
    %swap3A = arith.constant 0 : index
    %swap3A_15 = tpu.vector_load %arg6[%swap3A] {strides = array<i32>} : memref<128xi32, #tpu.memory_space<vmem>>, vector<16xi32>,
    %swap3A_16 = vector.shape_cast %swap3A_15 : vector<16xi32> to vector<16xi32>
    %swap3A_17 = vector.shape_cast %add3A_14 : vector<16xi32> to vector<16xi32>
    tpu.vector_store %arg6[%swap3A], %swap3A_17 {strides = array<i32>} : memref<128xi32, #tpu.memory_space<vmem>>, vector<16xi32>,
    %add3A_18 = arith.constant 16 : i32
    %add3A_19 = arith.addi %mul3A_2, %add3A_18 : i32
    %iota3A_20 = tpu.iota {dimensions = array<i32: 0>} : vector<16xi32>
    %add3A_21 = vector.broadcast %add3A_19 : i32 to vector<16xi32>
    %add3A_22 = arith.addi %add3A_21, %iota3A_20 : vector<16xi32>
    %get3A_23 = arith.constant 16 : index
    %get3A_24 = tpu.vector_load %arg5[%get3A_23] {strides = array<i32>} : memref<128xi32, #tpu.memory_space<vmem>>, vector<16xi32>,
    %get3A_25 = vector.shape_cast %get3A_24 : vector<16xi32> to vector<16xi32>
    %mul3A_26 = arith.constant 64 : i32
    %mul3A_27 = vector.broadcast %mul3A_26 : i32 to vector<16xi32>
    %mul3A_28 = arith.muli %add3A_22, %mul3A_27 : vector<16xi32>
    %shift_right_arithmetic3A_29 = arith.constant 7 : i32
    %shift_right_arithmetic3A_30 = vector.broadcast %shift_right_arithmetic3A_29 : i32 to vector<16xi32>
    %shift_right_arithmetic3A_31 = arith.shrsi %get3A_25, %shift_right_arithmetic3A_30 : vector<16xi32>
    %add3A_32 = arith.addi %mul3A_28, %shift_right_arithmetic3A_31 : vector<16xi32>
    %swap3A_33 = arith.constant 16 : index
    %swap3A_34 = tpu.vector_load %arg6[%swap3A_33] {strides = array<i32>} : memref<128xi32, #tpu.memory_space<vmem>>, vector<16xi32>,
    %swap3A_35 = vector.shape_cast %swap3A_34 : vector<16xi32> to vector<16xi32>
    %swap3A_36 = vector.shape_cast %add3A_32 : vector<16xi32> to vector<16xi32>
    tpu.vector_store %arg6[%swap3A_33], %swap3A_36 {strides = array<i32>} : memref<128xi32, #tpu.memory_space<vmem>>, vector<16xi32>,
    %add3A_37 = arith.constant 32 : i32
    %add3A_38 = arith.addi %mul3A_2, %add3A_37 : i32
    %iota3A_39 = tpu.iota {dimensions = array<i32: 0>} : vector<16xi32>
    %add3A_40 = vector.broadcast %add3A_38 : i32 to vector<16xi32>
    %add3A_41 = arith.addi %add3A_40, %iota3A_39 : vector<16xi32>
    %get3A_42 = arith.constant 32 : index
    %get3A_43 = tpu.vector_load %arg5[%get3A_42] {strides = array<i32>} : memref<128xi32, #tpu.memory_space<vmem>>, vector<16xi32>,
    %get3A_44 = vector.shape_cast %get3A_43 : vector<16xi32> to vector<16xi32>
    %mul3A_45 = arith.constant 64 : i32
    %mul3A_46 = vector.broadcast %mul3A_45 : i32 to vector<16xi32>
    %mul3A_47 = arith.muli %add3A_41, %mul3A_46 : vector<16xi32>
    %shift_right_arithmetic3A_48 = arith.constant 7 : i32
    %shift_right_arithmetic3A_49 = vector.broadcast %shift_right_arithmetic3A_48 : i32 to vector<16xi32>
    %shift_right_arithmetic3A_50 = arith.shrsi %get3A_44, %shift_right_arithmetic3A_49 : vector<16xi32>
    %add3A_51 = arith.addi %mul3A_47, %shift_right_arithmetic3A_50 : vector<16xi32>
    %swap3A_52 = arith.constant 32 : index
    %swap3A_53 = tpu.vector_load %arg6[%swap3A_52] {strides = array<i32>} : memref<128xi32, #tpu.memory_space<vmem>>, vector<16xi32>,
    %swap3A_54 = vector.shape_cast %swap3A_53 : vector<16xi32> to vector<16xi32>
    %swap3A_55 = vector.shape_cast %add3A_51 : vector<16xi32> to vector<16xi32>
    tpu.vector_store %arg6[%swap3A_52], %swap3A_55 {strides = array<i32>} : memref<128xi32, #tpu.memory_space<vmem>>, vector<16xi32>,
    %add3A_56 = arith.constant 48 : i32
    %add3A_57 = arith.addi %mul3A_2, %add3A_56 : i32
    %iota3A_58 = tpu.iota {dimensions = array<i32: 0>} : vector<16xi32>
    %add3A_59 = vector.broadcast %add3A_57 : i32 to vector<16xi32>
    %add3A_60 = arith.addi %add3A_59, %iota3A_58 : vector<16xi32>
    %get3A_61 = arith.constant 48 : index
    %get3A_62 = tpu.vector_load %arg5[%get3A_61] {strides = array<i32>} : memref<128xi32, #tpu.memory_space<vmem>>, vector<16xi32>,
    %get3A_63 = vector.shape_cast %get3A_62 : vector<16xi32> to vector<16xi32>
    %mul3A_64 = arith.constant 64 : i32
    %mul3A_65 = vector.broadcast %mul3A_64 : i32 to vector<16xi32>
    %mul3A_66 = arith.muli %add3A_60, %mul3A_65 : vector<16xi32>
    %shift_right_arithmetic3A_67 = arith.constant 7 : i32
    %shift_right_arithmetic3A_68 = vector.broadcast %shift_right_arithmetic3A_67 : i32 to vector<16xi32>
    %shift_right_arithmetic3A_69 = arith.shrsi %get3A_63, %shift_right_arithmetic3A_68 : vector<16xi32>
    %add3A_70 = arith.addi %mul3A_66, %shift_right_arithmetic3A_69 : vector<16xi32>
    %swap3A_71 = arith.constant 48 : index
    %swap3A_72 = tpu.vector_load %arg6[%swap3A_71] {strides = array<i32>} : memref<128xi32, #tpu.memory_space<vmem>>, vector<16xi32>,
    %swap3A_73 = vector.shape_cast %swap3A_72 : vector<16xi32> to vector<16xi32>
    %swap3A_74 = vector.shape_cast %add3A_70 : vector<16xi32> to vector<16xi32>
    tpu.vector_store %arg6[%swap3A_71], %swap3A_74 {strides = array<i32>} : memref<128xi32, #tpu.memory_space<vmem>>, vector<16xi32>,
    %add3A_75 = arith.constant 64 : i32
    %add3A_76 = arith.addi %mul3A_2, %add3A_75 : i32
    %iota3A_77 = tpu.iota {dimensions = array<i32: 0>} : vector<16xi32>
    %add3A_78 = vector.broadcast %add3A_76 : i32 to vector<16xi32>
    %add3A_79 = arith.addi %add3A_78, %iota3A_77 : vector<16xi32>
    %get3A_80 = arith.constant 64 : index
    %get3A_81 = tpu.vector_load %arg5[%get3A_80] {strides = array<i32>} : memref<128xi32, #tpu.memory_space<vmem>>, vector<16xi32>,
    %get3A_82 = vector.shape_cast %get3A_81 : vector<16xi32> to vector<16xi32>
    %mul3A_83 = arith.constant 64 : i32
    %mul3A_84 = vector.broadcast %mul3A_83 : i32 to vector<16xi32>
    %mul3A_85 = arith.muli %add3A_79, %mul3A_84 : vector<16xi32>
    %shift_right_arithmetic3A_86 = arith.constant 7 : i32
    %shift_right_arithmetic3A_87 = vector.broadcast %shift_right_arithmetic3A_86 : i32 to vector<16xi32>
    %shift_right_arithmetic3A_88 = arith.shrsi %get3A_82, %shift_right_arithmetic3A_87 : vector<16xi32>
    %add3A_89 = arith.addi %mul3A_85, %shift_right_arithmetic3A_88 : vector<16xi32>
    %swap3A_90 = arith.constant 64 : index
    %swap3A_91 = tpu.vector_load %arg6[%swap3A_90] {strides = array<i32>} : memref<128xi32, #tpu.memory_space<vmem>>, vector<16xi32>,
    %swap3A_92 = vector.shape_cast %swap3A_91 : vector<16xi32> to vector<16xi32>
    %swap3A_93 = vector.shape_cast %add3A_89 : vector<16xi32> to vector<16xi32>
    tpu.vector_store %arg6[%swap3A_90], %swap3A_93 {strides = array<i32>} : memref<128xi32, #tpu.memory_space<vmem>>, vector<16xi32>,
    %add3A_94 = arith.constant 80 : i32
    %add3A_95 = arith.addi %mul3A_2, %add3A_94 : i32
    %iota3A_96 = tpu.iota {dimensions = array<i32: 0>} : vector<16xi32>
    %add3A_97 = vector.broadcast %add3A_95 : i32 to vector<16xi32>
    %add3A_98 = arith.addi %add3A_97, %iota3A_96 : vector<16xi32>
    %get3A_99 = arith.constant 80 : index
    %get3A_100 = tpu.vector_load %arg5[%get3A_99] {strides = array<i32>} : memref<128xi32, #tpu.memory_space<vmem>>, vector<16xi32>,
    %get3A_101 = vector.shape_cast %get3A_100 : vector<16xi32> to vector<16xi32>
    %mul3A_102 = arith.constant 64 : i32
    %mul3A_103 = vector.broadcast %mul3A_102 : i32 to vector<16xi32>
    %mul3A_104 = arith.muli %add3A_98, %mul3A_103 : vector<16xi32>
    %shift_right_arithmetic3A_105 = arith.constant 7 : i32
    %shift_right_arithmetic3A_106 = vector.broadcast %shift_right_arithmetic3A_105 : i32 to vector<16xi32>
    %shift_right_arithmetic3A_107 = arith.shrsi %get3A_101, %shift_right_arithmetic3A_106 : vector<16xi32>
    %add3A_108 = arith.addi %mul3A_104, %shift_right_arithmetic3A_107 : vector<16xi32>
    %swap3A_109 = arith.constant 80 : index
    %swap3A_110 = tpu.vector_load %arg6[%swap3A_109] {strides = array<i32>} : memref<128xi32, #tpu.memory_space<vmem>>, vector<16xi32>,
    %swap3A_111 = vector.shape_cast %swap3A_110 : vector<16xi32> to vector<16xi32>
    %swap3A_112 = vector.shape_cast %add3A_108 : vector<16xi32> to vector<16xi32>
    tpu.vector_store %arg6[%swap3A_109], %swap3A_112 {strides = array<i32>} : memref<128xi32, #tpu.memory_space<vmem>>, vector<16xi32>,
    %add3A_113 = arith.constant 96 : i32
    %add3A_114 = arith.addi %mul3A_2, %add3A_113 : i32
    %iota3A_115 = tpu.iota {dimensions = array<i32: 0>} : vector<16xi32>
    %add3A_116 = vector.broadcast %add3A_114 : i32 to vector<16xi32>
    %add3A_117 = arith.addi %add3A_116, %iota3A_115 : vector<16xi32>
    %get3A_118 = arith.constant 96 : index
    %get3A_119 = tpu.vector_load %arg5[%get3A_118] {strides = array<i32>} : memref<128xi32, #tpu.memory_space<vmem>>, vector<16xi32>,
    %get3A_120 = vector.shape_cast %get3A_119 : vector<16xi32> to vector<16xi32>
    %mul3A_121 = arith.constant 64 : i32
    %mul3A_122 = vector.broadcast %mul3A_121 : i32 to vector<16xi32>
    %mul3A_123 = arith.muli %add3A_117, %mul3A_122 : vector<16xi32>
    %shift_right_arithmetic3A_124 = arith.constant 7 : i32
    %shift_right_arithmetic3A_125 = vector.broadcast %shift_right_arithmetic3A_124 : i32 to vector<16xi32>
    %shift_right_arithmetic3A_126 = arith.shrsi %get3A_120, %shift_right_arithmetic3A_125 : vector<16xi32>
    %add3A_127 = arith.addi %mul3A_123, %shift_right_arithmetic3A_126 : vector<16xi32>
    %swap3A_128 = arith.constant 96 : index
    %swap3A_129 = tpu.vector_load %arg6[%swap3A_128] {strides = array<i32>} : memref<128xi32, #tpu.memory_space<vmem>>, vector<16xi32>,
    %swap3A_130 = vector.shape_cast %swap3A_129 : vector<16xi32> to vector<16xi32>
    %swap3A_131 = vector.shape_cast %add3A_127 : vector<16xi32> to vector<16xi32>
    tpu.vector_store %arg6[%swap3A_128], %swap3A_131 {strides = array<i32>} : memref<128xi32, #tpu.memory_space<vmem>>, vector<16xi32>,
    %add3A_132 = arith.constant 112 : i32
    %add3A_133 = arith.addi %mul3A_2, %add3A_132 : i32
    %iota3A_134 = tpu.iota {dimensions = array<i32: 0>} : vector<16xi32>
    %add3A_135 = vector.broadcast %add3A_133 : i32 to vector<16xi32>
    %add3A_136 = arith.addi %add3A_135, %iota3A_134 : vector<16xi32>
    %get3A_137 = arith.constant 112 : index
    %get3A_138 = tpu.vector_load %arg5[%get3A_137] {strides = array<i32>} : memref<128xi32, #tpu.memory_space<vmem>>, vector<16xi32>,
    %get3A_139 = vector.shape_cast %get3A_138 : vector<16xi32> to vector<16xi32>
    %mul3A_140 = arith.constant 64 : i32
    %mul3A_141 = vector.broadcast %mul3A_140 : i32 to vector<16xi32>
    %mul3A_142 = arith.muli %add3A_136, %mul3A_141 : vector<16xi32>
    %shift_right_arithmetic3A_143 = arith.constant 7 : i32
    %shift_right_arithmetic3A_144 = vector.broadcast %shift_right_arithmetic3A_143 : i32 to vector<16xi32>
    %shift_right_arithmetic3A_145 = arith.shrsi %get3A_139, %shift_right_arithmetic3A_144 : vector<16xi32>
    %add3A_146 = arith.addi %mul3A_142, %shift_right_arithmetic3A_145 : vector<16xi32>
    %swap3A_147 = arith.constant 112 : index
    %swap3A_148 = tpu.vector_load %arg6[%swap3A_147] {strides = array<i32>} : memref<128xi32, #tpu.memory_space<vmem>>, vector<16xi32>,
    %swap3A_149 = vector.shape_cast %swap3A_148 : vector<16xi32> to vector<16xi32>
    %swap3A_150 = vector.shape_cast %add3A_146 : vector<16xi32> to vector<16xi32>
    tpu.vector_store %arg6[%swap3A_147], %swap3A_150 {strides = array<i32>} : memref<128xi32, #tpu.memory_space<vmem>>, vector<16xi32>,
    %dma_start3A = arith.constant 0 : i32
    %dma_start3A_151 = arith.constant 0 : i32
    %dma_start3A_152 = tpu.memref_slice %arg2[%dma_start3A, %dma_start3A_151] : memref<262144x128xf32, #tpu.memory_space<hbm>> -> memref<262144x128xf32, #tpu.memory_space<hbm>>
    tpu.enqueue_indirect_dma source(%dma_start3A_152 : memref<262144x128xf32, #tpu.memory_space<hbm>>) target(%arg7 : memref<128x128xf32, #tpu.memory_space<vmem>>) offsets(%arg6 : memref<128xi32, #tpu.memory_space<vmem>>) semaphore(%arg8 : memref<!tpu.dma_semaphore, #tpu.memory_space<semaphore_mem>>)
    %dma_wait3A = arith.constant 0 : i32
    %dma_wait3A_153 = arith.constant 0 : i32
    %dma_wait3A_154 = tpu.memref_slice %arg2[%dma_wait3A, %dma_wait3A_153] : memref<262144x128xf32, #tpu.memory_space<hbm>> -> memref<262144x128xf32, #tpu.memory_space<hbm>>
    tpu.wait_indirect_dma semaphore(%arg8 : memref<!tpu.dma_semaphore, #tpu.memory_space<semaphore_mem>>) src(%dma_wait3A_154 : memref<262144x128xf32, #tpu.memory_space<hbm>>) dst(%arg7 : memref<128x128xf32, #tpu.memory_space<vmem>>)
    "tpu.region"() ({
      %run_scoped3A = tpu.sem_alloc : memref<!tpu.dma_semaphore, #tpu.memory_space<semaphore_mem>>
      %dma_start3A_155 = arith.constant 0 : i32
      %dma_start3A_156 = tpu.memref_slice %arg4[%mul3A_2, %dma_start3A_155] : memref<4096x128xf32, #tpu.memory_space<hbm>> -> memref<128x128xf32, #tpu.memory_space<hbm>>
      %dma_start3A_157 = arith.constant 0 : i32
      %dma_start3A_158 = tpu.memref_slice %arg4[%mul3A_2, %dma_start3A_157] : memref<4096x128xf32, #tpu.memory_space<hbm>> -> memref<128x128xf32, #tpu.memory_space<hbm>>
      tpu.enqueue_dma source(%arg7 : memref<128x128xf32, #tpu.memory_space<vmem>>) target(%dma_start3A_158 : memref<128x128xf32, #tpu.memory_space<hbm>>) target_semaphore(%run_scoped3A : memref<!tpu.dma_semaphore, #tpu.memory_space<semaphore_mem>>)
      %dma_wait3A_159 = arith.constant 0 : i32
      %dma_wait3A_160 = tpu.memref_slice %arg4[%mul3A_2, %dma_wait3A_159] : memref<4096x128xf32, #tpu.memory_space<hbm>> -> memref<128x128xf32, #tpu.memory_space<hbm>>
      %dma_wait3A_161 = arith.constant 0 : i32
      %dma_wait3A_162 = tpu.memref_slice %arg4[%mul3A_2, %dma_wait3A_161] : memref<4096x128xf32, #tpu.memory_space<hbm>> -> memref<128x128xf32, #tpu.memory_space<hbm>>
      tpu.wait_dma2 semaphore(%run_scoped3A : memref<!tpu.dma_semaphore, #tpu.memory_space<semaphore_mem>>) src(%arg7 : memref<128x128xf32, #tpu.memory_space<vmem>>) dst(%dma_wait3A_162 : memref<128x128xf32, #tpu.memory_space<hbm>>)
      tpu.yield
    }) : () -> ()
    return
  }
}

module attributes {stable_mosaic.version = 14 : i64} {
  func.func @_block_body(%arg0: i32, %arg1: memref<256x8192xf32, #tpu.memory_space<vmem>>, %arg2: memref<256x1xi32, #tpu.memory_space<vmem>>, %arg3: memref<256x128xf32, #tpu.memory_space<vmem>>, %arg4: memref<8x128xf32, #tpu.memory_space<vmem>>) attributes {dimension_semantics = [#tpu.dimension_semantics<arbitrary>], iteration_bounds = array<i64: 16>, scalar_prefetch = 0 : i64, scratch_operands = 0 : i64, tpu.core_type = #tpu.core_type<tc>, window_params = [{transform_indices = @transform_0, window_bounds = array<i64: 256, 8192>}, {transform_indices = @transform_1, window_bounds = array<i64: 256, 1>}, {transform_indices = @transform_2, window_bounds = array<i64: 256, 128>}, {pipeline_mode = #tpu.pipeline_mode<synchronous>, transform_indices = @transform_3, window_bounds = array<i64: 8, 128>}]} {
    %get3A = arith.constant 0 : index
    %get3A_0 = arith.constant 0 : index
    %get3A_1 = vector.load %arg1[%get3A, %get3A_0] : memref<256x8192xf32, #tpu.memory_space<vmem>>, vector<256x8192xf32>
    %get3A_2 = arith.constant 0 : index
    %get3A_3 = arith.constant 0 : index
    %get3A_4 = vector.load %arg2[%get3A_2, %get3A_3] : memref<256x1xi32, #tpu.memory_space<vmem>>, vector<256x1xi32>
    %slice3A = vector.extract_strided_slice %get3A_1 {offsets = [0, 0], sizes = [256, 1], strides = [1, 1]} : vector<256x8192xf32> to vector<256x1xf32>
    %ne3A = arith.constant 0 : i32
    %ne3A_5 = vector.broadcast %ne3A : i32 to vector<256x1xi32>
    %ne3A_6 = arith.cmpi ne, %get3A_4, %ne3A_5 : vector<256x1xi32>
    %jit3A = arith.constant 1.000000e+00 : f32
    %jit3A_7 = arith.constant 0.000000e+00 : f32
    %broadcast_in_dim3A = vector.broadcast %jit3A : f32 to vector<256x1xf32>
    %broadcast_in_dim3A_8 = vector.broadcast %jit3A_7 : f32 to vector<256x1xf32>
    %select_n3A = arith.select %ne3A_6, %broadcast_in_dim3A, %broadcast_in_dim3A_8 : vector<256x1xi1>, vector<256x1xf32>
    %iota3A = tpu.iota {dimensions = array<i32: 1>} : vector<256x128xi32>
    %and3A = arith.constant 127 : i32
    %and3A_9 = vector.broadcast %and3A : i32 to vector<256x1xi32>
    %and3A_10 = arith.andi %get3A_4, %and3A_9 : vector<256x1xi32>
    %eq3A = vector.broadcast %and3A_10 : vector<256x1xi32> to vector<256x128xi32>
    %eq3A_11 = arith.cmpi eq, %iota3A, %eq3A : vector<256x128xi32>
    %get3A_12 = arith.constant 0 : index
    %get3A_13 = arith.constant 0 : index
    %get3A_14 = vector.load %arg3[%get3A_12, %get3A_13] : memref<256x128xf32, #tpu.memory_space<vmem>>, vector<256x128xf32>
    %jit3A_15 = arith.constant 0.000000e+00 : f32
    %broadcast_in_dim3A_16 = vector.broadcast %jit3A_15 : f32 to vector<256x128xf32>
    %select_n3A_17 = arith.select %eq3A_11, %get3A_14, %broadcast_in_dim3A_16 : vector<256x128xi1>, vector<256x128xf32>
    %reduce_sum3A = arith.constant dense<0.000000e+00> : vector<256xf32>
    %reduce_sum3A_18 = vector.multi_reduction <add>, %select_n3A_17, %reduce_sum3A [1] : vector<256x128xf32> to vector<256xf32>
    %broadcast_in_dim3A_19 = vector.shape_cast %reduce_sum3A_18 : vector<256xf32> to vector<256x1xf32>
    %broadcast_in_dim3A_20 = arith.constant -1.600000e+01 : f32
    %broadcast_in_dim3A_21 = vector.broadcast %broadcast_in_dim3A_20 : f32 to vector<256x1xf32>
    %broadcast_in_dim3A_22 = arith.constant 1.600000e+01 : f32
    %broadcast_in_dim3A_23 = vector.broadcast %broadcast_in_dim3A_22 : f32 to vector<256x1xf32>
    %broadcast_in_dim3A_24 = arith.constant 8.191000e+03 : f32
    %broadcast_in_dim3A_25 = vector.broadcast %broadcast_in_dim3A_24 : f32 to vector<256x1xf32>
    %broadcast_in_dim3A_26 = arith.constant 0.000000e+00 : f32
    %broadcast_in_dim3A_27 = vector.broadcast %broadcast_in_dim3A_26 : f32 to vector<256x1xf32>
    %sub3A = arith.constant 4.095000e+03 : f32
    %sub3A_28 = vector.broadcast %sub3A : f32 to vector<256x1xf32>
    %sub3A_29 = arith.subf %broadcast_in_dim3A_25, %sub3A_28 : vector<256x1xf32>
    %sub3A_30 = arith.subf %broadcast_in_dim3A_25, %broadcast_in_dim3A_27 : vector<256x1xf32>
    %div3A = arith.divf %sub3A_29, %sub3A_30 : vector<256x1xf32>
    %jit3A_31 = arith.constant 3.000000e-02 : f32
    %jit3A_32 = arith.constant 9.700000e-01 : f32
    %max3A = vector.broadcast %jit3A_31 : f32 to vector<256x1xf32>
    %max3A_33 = arith.maximumf %max3A, %div3A : vector<256x1xf32>
    %min3A = vector.broadcast %jit3A_32 : f32 to vector<256x1xf32>
    %min3A_34 = arith.minimumf %min3A, %max3A_33 : vector<256x1xf32>
    %sub3A_35 = arith.subf %broadcast_in_dim3A_23, %broadcast_in_dim3A_21 : vector<256x1xf32>
    %mul3A = arith.mulf %sub3A_35, %min3A_34 : vector<256x1xf32>
    %add3A = arith.addf %broadcast_in_dim3A_21, %mul3A : vector<256x1xf32>
    %gt3A = vector.broadcast %add3A : vector<256x1xf32> to vector<256x8192xf32>
    %gt3A_36 = arith.cmpf ogt, %get3A_1, %gt3A : vector<256x8192xf32>
    %jit3A_37 = arith.constant 1.000000e+00 : f32
    %jit3A_38 = arith.constant 0.000000e+00 : f32
    %broadcast_in_dim3A_39 = vector.broadcast %jit3A_37 : f32 to vector<256x8192xf32>
    %broadcast_in_dim3A_40 = vector.broadcast %jit3A_38 : f32 to vector<256x8192xf32>
    %select_n3A_41 = arith.select %gt3A_36, %broadcast_in_dim3A_39, %broadcast_in_dim3A_40 : vector<256x8192xi1>, vector<256x8192xf32>
    %reduce_sum3A_42 = arith.constant dense<0.000000e+00> : vector<256xf32>
    %reduce_sum3A_43 = vector.multi_reduction <add>, %select_n3A_41, %reduce_sum3A_42 [1] : vector<256x8192xf32> to vector<256xf32>
    %broadcast_in_dim3A_44 = vector.shape_cast %reduce_sum3A_43 : vector<256xf32> to vector<256x1xf32>
    %gt3A_45 = arith.cmpf ogt, %slice3A, %add3A : vector<256x1xf32>
    %jit3A_46 = arith.constant 1.000000e+00 : f32
    %jit3A_47 = arith.constant 0.000000e+00 : f32
    %broadcast_in_dim3A_48 = vector.broadcast %jit3A_46 : f32 to vector<256x1xf32>
    %broadcast_in_dim3A_49 = vector.broadcast %jit3A_47 : f32 to vector<256x1xf32>
    %select_n3A_50 = arith.select %gt3A_45, %broadcast_in_dim3A_48, %broadcast_in_dim3A_49 : vector<256x1xi1>, vector<256x1xf32>
    %sub3A_51 = arith.subf %broadcast_in_dim3A_44, %select_n3A_50 : vector<256x1xf32>
    %gt3A_52 = arith.cmpf ogt, %broadcast_in_dim3A_19, %add3A : vector<256x1xf32>
    %jit3A_53 = arith.constant 1.000000e+00 : f32
    %jit3A_54 = arith.constant 0.000000e+00 : f32
    %broadcast_in_dim3A_55 = vector.broadcast %jit3A_53 : f32 to vector<256x1xf32>
    %broadcast_in_dim3A_56 = vector.broadcast %jit3A_54 : f32 to vector<256x1xf32>
    %select_n3A_57 = arith.select %gt3A_52, %broadcast_in_dim3A_55, %broadcast_in_dim3A_56 : vector<256x1xi1>, vector<256x1xf32>
    %neg3A = arith.constant 0.000000e+00 : f32
    %neg3A_58 = vector.broadcast %neg3A : f32 to vector<256x1xf32>
    %neg3A_59 = arith.subf %neg3A_58, %broadcast_in_dim3A_19 : vector<256x1xf32>
    %gt3A_60 = arith.cmpf ogt, %neg3A_59, %add3A : vector<256x1xf32>
    %jit3A_61 = arith.constant 1.000000e+00 : f32
    %jit3A_62 = arith.constant 0.000000e+00 : f32
    %broadcast_in_dim3A_63 = vector.broadcast %jit3A_61 : f32 to vector<256x1xf32>
    %broadcast_in_dim3A_64 = vector.broadcast %jit3A_62 : f32 to vector<256x1xf32>
    %select_n3A_65 = arith.select %gt3A_60, %broadcast_in_dim3A_63, %broadcast_in_dim3A_64 : vector<256x1xi1>, vector<256x1xf32>
    %sub3A_66 = arith.subf %select_n3A_57, %select_n3A_65 : vector<256x1xf32>
    %mul3A_67 = arith.mulf %select_n3A, %sub3A_66 : vector<256x1xf32>
    %sub3A_68 = arith.subf %sub3A_51, %mul3A_67 : vector<256x1xf32>
    %ge3A = arith.constant 4.095000e+03 : f32
    %ge3A_69 = vector.broadcast %ge3A : f32 to vector<256x1xf32>
    %ge3A_70 = arith.cmpf oge, %sub3A_68, %ge3A_69 : vector<256x1xf32>
    %select_n3A_71 = arith.select %ge3A_70, %add3A, %broadcast_in_dim3A_21 : vector<256x1xi1>, vector<256x1xf32>
    %select_n3A_72 = arith.select %ge3A_70, %sub3A_68, %broadcast_in_dim3A_25 : vector<256x1xi1>, vector<256x1xf32>
    %select_n3A_73 = arith.select %ge3A_70, %broadcast_in_dim3A_23, %add3A : vector<256x1xi1>, vector<256x1xf32>
    %select_n3A_74 = arith.select %ge3A_70, %broadcast_in_dim3A_27, %sub3A_68 : vector<256x1xi1>, vector<256x1xf32>
    %sub3A_75 = arith.constant 4.095000e+03 : f32
    %sub3A_76 = vector.broadcast %sub3A_75 : f32 to vector<256x1xf32>
    %sub3A_77 = arith.subf %select_n3A_72, %sub3A_76 : vector<256x1xf32>
    %sub3A_78 = arith.subf %select_n3A_72, %select_n3A_74 : vector<256x1xf32>
    %div3A_79 = arith.divf %sub3A_77, %sub3A_78 : vector<256x1xf32>
    %jit3A_80 = arith.constant 3.000000e-02 : f32
    %jit3A_81 = arith.constant 9.700000e-01 : f32
    %max3A_82 = vector.broadcast %jit3A_80 : f32 to vector<256x1xf32>
    %max3A_83 = arith.maximumf %max3A_82, %div3A_79 : vector<256x1xf32>
    %min3A_84 = vector.broadcast %jit3A_81 : f32 to vector<256x1xf32>
    %min3A_85 = arith.minimumf %min3A_84, %max3A_83 : vector<256x1xf32>
    %sub3A_86 = arith.subf %select_n3A_73, %select_n3A_71 : vector<256x1xf32>
    %mul3A_87 = arith.mulf %sub3A_86, %min3A_85 : vector<256x1xf32>
    %add3A_88 = arith.addf %select_n3A_71, %mul3A_87 : vector<256x1xf32>
    %gt3A_89 = vector.broadcast %add3A_88 : vector<256x1xf32> to vector<256x8192xf32>
    %gt3A_90 = arith.cmpf ogt, %get3A_1, %gt3A_89 : vector<256x8192xf32>
    %jit3A_91 = arith.constant 1.000000e+00 : f32
    %jit3A_92 = arith.constant 0.000000e+00 : f32
    %broadcast_in_dim3A_93 = vector.broadcast %jit3A_91 : f32 to vector<256x8192xf32>
    %broadcast_in_dim3A_94 = vector.broadcast %jit3A_92 : f32 to vector<256x8192xf32>
    %select_n3A_95 = arith.select %gt3A_90, %broadcast_in_dim3A_93, %broadcast_in_dim3A_94 : vector<256x8192xi1>, vector<256x8192xf32>
    %reduce_sum3A_96 = arith.constant dense<0.000000e+00> : vector<256xf32>
    %reduce_sum3A_97 = vector.multi_reduction <add>, %select_n3A_95, %reduce_sum3A_96 [1] : vector<256x8192xf32> to vector<256xf32>
    %broadcast_in_dim3A_98 = vector.shape_cast %reduce_sum3A_97 : vector<256xf32> to vector<256x1xf32>
    %gt3A_99 = arith.cmpf ogt, %slice3A, %add3A_88 : vector<256x1xf32>
    %jit3A_100 = arith.constant 1.000000e+00 : f32
    %jit3A_101 = arith.constant 0.000000e+00 : f32
    %broadcast_in_dim3A_102 = vector.broadcast %jit3A_100 : f32 to vector<256x1xf32>
    %broadcast_in_dim3A_103 = vector.broadcast %jit3A_101 : f32 to vector<256x1xf32>
    %select_n3A_104 = arith.select %gt3A_99, %broadcast_in_dim3A_102, %broadcast_in_dim3A_103 : vector<256x1xi1>, vector<256x1xf32>
    %sub3A_105 = arith.subf %broadcast_in_dim3A_98, %select_n3A_104 : vector<256x1xf32>
    %gt3A_106 = arith.cmpf ogt, %broadcast_in_dim3A_19, %add3A_88 : vector<256x1xf32>
    %jit3A_107 = arith.constant 1.000000e+00 : f32
    %jit3A_108 = arith.constant 0.000000e+00 : f32
    %broadcast_in_dim3A_109 = vector.broadcast %jit3A_107 : f32 to vector<256x1xf32>
    %broadcast_in_dim3A_110 = vector.broadcast %jit3A_108 : f32 to vector<256x1xf32>
    %select_n3A_111 = arith.select %gt3A_106, %broadcast_in_dim3A_109, %broadcast_in_dim3A_110 : vector<256x1xi1>, vector<256x1xf32>
    %neg3A_112 = arith.constant 0.000000e+00 : f32
    %neg3A_113 = vector.broadcast %neg3A_112 : f32 to vector<256x1xf32>
    %neg3A_114 = arith.subf %neg3A_113, %broadcast_in_dim3A_19 : vector<256x1xf32>
    %gt3A_115 = arith.cmpf ogt, %neg3A_114, %add3A_88 : vector<256x1xf32>
    %jit3A_116 = arith.constant 1.000000e+00 : f32
    %jit3A_117 = arith.constant 0.000000e+00 : f32
    %broadcast_in_dim3A_118 = vector.broadcast %jit3A_116 : f32 to vector<256x1xf32>
    %broadcast_in_dim3A_119 = vector.broadcast %jit3A_117 : f32 to vector<256x1xf32>
    %select_n3A_120 = arith.select %gt3A_115, %broadcast_in_dim3A_118, %broadcast_in_dim3A_119 : vector<256x1xi1>, vector<256x1xf32>
    %sub3A_121 = arith.subf %select_n3A_111, %select_n3A_120 : vector<256x1xf32>
    %mul3A_122 = arith.mulf %select_n3A, %sub3A_121 : vector<256x1xf32>
    %sub3A_123 = arith.subf %sub3A_105, %mul3A_122 : vector<256x1xf32>
    %ge3A_124 = arith.constant 4.095000e+03 : f32
    %ge3A_125 = vector.broadcast %ge3A_124 : f32 to vector<256x1xf32>
    %ge3A_126 = arith.cmpf oge, %sub3A_123, %ge3A_125 : vector<256x1xf32>
    %select_n3A_127 = arith.select %ge3A_126, %add3A_88, %select_n3A_71 : vector<256x1xi1>, vector<256x1xf32>
    %select_n3A_128 = arith.select %ge3A_126, %sub3A_123, %select_n3A_72 : vector<256x1xi1>, vector<256x1xf32>
    %select_n3A_129 = arith.select %ge3A_126, %select_n3A_73, %add3A_88 : vector<256x1xi1>, vector<256x1xf32>
    %select_n3A_130 = arith.select %ge3A_126, %select_n3A_74, %sub3A_123 : vector<256x1xi1>, vector<256x1xf32>
    %sub3A_131 = arith.subf %select_n3A_129, %select_n3A_127 : vector<256x1xf32>
    %sub3A_132 = arith.constant 4.095000e+03 : f32
    %sub3A_133 = vector.broadcast %sub3A_132 : f32 to vector<256x1xf32>
    %sub3A_134 = arith.subf %select_n3A_128, %sub3A_133 : vector<256x1xf32>
    %sub3A_135 = arith.subf %select_n3A_128, %select_n3A_130 : vector<256x1xf32>
    %div3A_136 = arith.divf %sub3A_134, %sub3A_135 : vector<256x1xf32>
    %mul3A_137 = arith.mulf %sub3A_131, %div3A_136 : vector<256x1xf32>
    %add3A_138 = arith.addf %select_n3A_127, %mul3A_137 : vector<256x1xf32>
    %max3A_139 = arith.constant 0.000000e+00 : f32
    %max3A_140 = vector.broadcast %max3A_139 : f32 to vector<256x1xf32>
    %max3A_141 = arith.maximumf %add3A_138, %max3A_140 : vector<256x1xf32>
    %abs3A = math.absf %add3A_138 : vector<256x1xf32>
    %neg3A_142 = arith.constant 0.000000e+00 : f32
    %neg3A_143 = vector.broadcast %neg3A_142 : f32 to vector<256x1xf32>
    %neg3A_144 = arith.subf %neg3A_143, %abs3A : vector<256x1xf32>
    %exp3A = math.exp %neg3A_144 : vector<256x1xf32>
    %add3A_145 = arith.constant 1.000000e+00 : f32
    %add3A_146 = vector.broadcast %add3A_145 : f32 to vector<256x1xf32>
    %add3A_147 = arith.addf %add3A_146, %exp3A : vector<256x1xf32>
    %log3A = math.log %add3A_147 : vector<256x1xf32>
    %add3A_148 = arith.addf %max3A_141, %log3A : vector<256x1xf32>
    %gt3A_149 = vector.broadcast %add3A_138 : vector<256x1xf32> to vector<256x8192xf32>
    %gt3A_150 = arith.cmpf ogt, %get3A_1, %gt3A_149 : vector<256x8192xf32>
    %max3A_151 = arith.constant 0.000000e+00 : f32
    %max3A_152 = vector.broadcast %max3A_151 : f32 to vector<256x8192xf32>
    %max3A_153 = arith.maximumf %get3A_1, %max3A_152 : vector<256x8192xf32>
    %abs3A_154 = math.absf %get3A_1 : vector<256x8192xf32>
    %neg3A_155 = arith.constant 0.000000e+00 : f32
    %neg3A_156 = vector.broadcast %neg3A_155 : f32 to vector<256x8192xf32>
    %neg3A_157 = arith.subf %neg3A_156, %abs3A_154 : vector<256x8192xf32>
    %exp3A_158 = math.exp %neg3A_157 : vector<256x8192xf32>
    %add3A_159 = arith.constant 1.000000e+00 : f32
    %add3A_160 = vector.broadcast %add3A_159 : f32 to vector<256x8192xf32>
    %add3A_161 = arith.addf %add3A_160, %exp3A_158 : vector<256x8192xf32>
    %log3A_162 = math.log %add3A_161 : vector<256x8192xf32>
    %add3A_163 = arith.addf %max3A_153, %log3A_162 : vector<256x8192xf32>
    %sub3A_164 = vector.broadcast %add3A_148 : vector<256x1xf32> to vector<256x8192xf32>
    %sub3A_165 = arith.subf %add3A_163, %sub3A_164 : vector<256x8192xf32>
    %jit3A_166 = arith.constant 0.000000e+00 : f32
    %broadcast_in_dim3A_167 = vector.broadcast %jit3A_166 : f32 to vector<256x8192xf32>
    %select_n3A_168 = arith.select %gt3A_150, %sub3A_165, %broadcast_in_dim3A_167 : vector<256x8192xi1>, vector<256x8192xf32>
    %reduce_sum3A_169 = arith.constant dense<0.000000e+00> : vector<256xf32>
    %reduce_sum3A_170 = vector.multi_reduction <add>, %select_n3A_168, %reduce_sum3A_169 [1] : vector<256x8192xf32> to vector<256xf32>
    %broadcast_in_dim3A_171 = vector.shape_cast %reduce_sum3A_170 : vector<256xf32> to vector<256x1xf32>
    %gt3A_172 = arith.cmpf ogt, %slice3A, %add3A_138 : vector<256x1xf32>
    %max3A_173 = arith.constant 0.000000e+00 : f32
    %max3A_174 = vector.broadcast %max3A_173 : f32 to vector<256x1xf32>
    %max3A_175 = arith.maximumf %slice3A, %max3A_174 : vector<256x1xf32>
    %abs3A_176 = math.absf %slice3A : vector<256x1xf32>
    %neg3A_177 = arith.constant 0.000000e+00 : f32
    %neg3A_178 = vector.broadcast %neg3A_177 : f32 to vector<256x1xf32>
    %neg3A_179 = arith.subf %neg3A_178, %abs3A_176 : vector<256x1xf32>
    %exp3A_180 = math.exp %neg3A_179 : vector<256x1xf32>
    %add3A_181 = arith.constant 1.000000e+00 : f32
    %add3A_182 = vector.broadcast %add3A_181 : f32 to vector<256x1xf32>
    %add3A_183 = arith.addf %add3A_182, %exp3A_180 : vector<256x1xf32>
    %log3A_184 = math.log %add3A_183 : vector<256x1xf32>
    %add3A_185 = arith.addf %max3A_175, %log3A_184 : vector<256x1xf32>
    %sub3A_186 = arith.subf %add3A_185, %add3A_148 : vector<256x1xf32>
    %jit3A_187 = arith.constant 0.000000e+00 : f32
    %broadcast_in_dim3A_188 = vector.broadcast %jit3A_187 : f32 to vector<256x1xf32>
    %select_n3A_189 = arith.select %gt3A_172, %sub3A_186, %broadcast_in_dim3A_188 : vector<256x1xi1>, vector<256x1xf32>
    %sub3A_190 = arith.subf %broadcast_in_dim3A_171, %select_n3A_189 : vector<256x1xf32>
    %gt3A_191 = arith.cmpf ogt, %broadcast_in_dim3A_19, %add3A_138 : vector<256x1xf32>
    %max3A_192 = arith.constant 0.000000e+00 : f32
    %max3A_193 = vector.broadcast %max3A_192 : f32 to vector<256x1xf32>
    %max3A_194 = arith.maximumf %broadcast_in_dim3A_19, %max3A_193 : vector<256x1xf32>
    %abs3A_195 = math.absf %broadcast_in_dim3A_19 : vector<256x1xf32>
    %neg3A_196 = arith.constant 0.000000e+00 : f32
    %neg3A_197 = vector.broadcast %neg3A_196 : f32 to vector<256x1xf32>
    %neg3A_198 = arith.subf %neg3A_197, %abs3A_195 : vector<256x1xf32>
    %exp3A_199 = math.exp %neg3A_198 : vector<256x1xf32>
    %add3A_200 = arith.constant 1.000000e+00 : f32
    %add3A_201 = vector.broadcast %add3A_200 : f32 to vector<256x1xf32>
    %add3A_202 = arith.addf %add3A_201, %exp3A_199 : vector<256x1xf32>
    %log3A_203 = math.log %add3A_202 : vector<256x1xf32>
    %add3A_204 = arith.addf %max3A_194, %log3A_203 : vector<256x1xf32>
    %sub3A_205 = arith.subf %add3A_204, %add3A_148 : vector<256x1xf32>
    %jit3A_206 = arith.constant 0.000000e+00 : f32
    %broadcast_in_dim3A_207 = vector.broadcast %jit3A_206 : f32 to vector<256x1xf32>
    %select_n3A_208 = arith.select %gt3A_191, %sub3A_205, %broadcast_in_dim3A_207 : vector<256x1xi1>, vector<256x1xf32>
    %neg3A_209 = arith.constant 0.000000e+00 : f32
    %neg3A_210 = vector.broadcast %neg3A_209 : f32 to vector<256x1xf32>
    %neg3A_211 = arith.subf %neg3A_210, %broadcast_in_dim3A_19 : vector<256x1xf32>
    %gt3A_212 = arith.cmpf ogt, %neg3A_211, %add3A_138 : vector<256x1xf32>
    %max3A_213 = arith.constant 0.000000e+00 : f32
    %max3A_214 = vector.broadcast %max3A_213 : f32 to vector<256x1xf32>
    %max3A_215 = arith.maximumf %neg3A_211, %max3A_214 : vector<256x1xf32>
    %abs3A_216 = math.absf %neg3A_211 : vector<256x1xf32>
    %neg3A_217 = arith.constant 0.000000e+00 : f32
    %neg3A_218 = vector.broadcast %neg3A_217 : f32 to vector<256x1xf32>
    %neg3A_219 = arith.subf %neg3A_218, %abs3A_216 : vector<256x1xf32>
    %exp3A_220 = math.exp %neg3A_219 : vector<256x1xf32>
    %add3A_221 = arith.constant 1.000000e+00 : f32
    %add3A_222 = vector.broadcast %add3A_221 : f32 to vector<256x1xf32>
    %add3A_223 = arith.addf %add3A_222, %exp3A_220 : vector<256x1xf32>
    %log3A_224 = math.log %add3A_223 : vector<256x1xf32>
    %add3A_225 = arith.addf %max3A_215, %log3A_224 : vector<256x1xf32>
    %sub3A_226 = arith.subf %add3A_225, %add3A_148 : vector<256x1xf32>
    %jit3A_227 = arith.constant 0.000000e+00 : f32
    %broadcast_in_dim3A_228 = vector.broadcast %jit3A_227 : f32 to vector<256x1xf32>
    %select_n3A_229 = arith.select %gt3A_212, %sub3A_226, %broadcast_in_dim3A_228 : vector<256x1xi1>, vector<256x1xf32>
    %sub3A_230 = arith.subf %select_n3A_208, %select_n3A_229 : vector<256x1xf32>
    %mul3A_231 = arith.mulf %select_n3A, %sub3A_230 : vector<256x1xf32>
    %sub3A_232 = arith.subf %sub3A_190, %mul3A_231 : vector<256x1xf32>
    %mul3A_233 = arith.constant 4.095000e+03 : f32
    %mul3A_234 = vector.broadcast %mul3A_233 : f32 to vector<256x1xf32>
    %mul3A_235 = arith.mulf %mul3A_234, %add3A_148 : vector<256x1xf32>
    %add3A_236 = arith.addf %sub3A_232, %mul3A_235 : vector<256x1xf32>
    %eq3A_237 = arith.constant 0 : i32
    %eq3A_238 = vector.broadcast %eq3A_237 : i32 to vector<256x1xi32>
    %eq3A_239 = arith.cmpi eq, %get3A_4, %eq3A_238 : vector<256x1xi32>
    %neg3A_240 = arith.constant 0.000000e+00 : f32
    %neg3A_241 = vector.broadcast %neg3A_240 : f32 to vector<256x1xf32>
    %neg3A_242 = arith.subf %neg3A_241, %slice3A : vector<256x1xf32>
    %max3A_243 = arith.constant 0.000000e+00 : f32
    %max3A_244 = vector.broadcast %max3A_243 : f32 to vector<256x1xf32>
    %max3A_245 = arith.maximumf %neg3A_242, %max3A_244 : vector<256x1xf32>
    %abs3A_246 = math.absf %neg3A_242 : vector<256x1xf32>
    %neg3A_247 = arith.constant 0.000000e+00 : f32
    %neg3A_248 = vector.broadcast %neg3A_247 : f32 to vector<256x1xf32>
    %neg3A_249 = arith.subf %neg3A_248, %abs3A_246 : vector<256x1xf32>
    %exp3A_250 = math.exp %neg3A_249 : vector<256x1xf32>
    %add3A_251 = arith.constant 1.000000e+00 : f32
    %add3A_252 = vector.broadcast %add3A_251 : f32 to vector<256x1xf32>
    %add3A_253 = arith.addf %add3A_252, %exp3A_250 : vector<256x1xf32>
    %log3A_254 = math.log %add3A_253 : vector<256x1xf32>
    %add3A_255 = arith.addf %max3A_245, %log3A_254 : vector<256x1xf32>
    %max3A_256 = arith.constant 0.000000e+00 : f32
    %max3A_257 = vector.broadcast %max3A_256 : f32 to vector<256x1xf32>
    %max3A_258 = arith.maximumf %slice3A, %max3A_257 : vector<256x1xf32>
    %abs3A_259 = math.absf %slice3A : vector<256x1xf32>
    %neg3A_260 = arith.constant 0.000000e+00 : f32
    %neg3A_261 = vector.broadcast %neg3A_260 : f32 to vector<256x1xf32>
    %neg3A_262 = arith.subf %neg3A_261, %abs3A_259 : vector<256x1xf32>
    %exp3A_263 = math.exp %neg3A_262 : vector<256x1xf32>
    %add3A_264 = arith.constant 1.000000e+00 : f32
    %add3A_265 = vector.broadcast %add3A_264 : f32 to vector<256x1xf32>
    %add3A_266 = arith.addf %add3A_265, %exp3A_263 : vector<256x1xf32>
    %log3A_267 = math.log %add3A_266 : vector<256x1xf32>
    %add3A_268 = arith.addf %max3A_258, %log3A_267 : vector<256x1xf32>
    %select_n3A_269 = arith.select %eq3A_239, %add3A_255, %add3A_268 : vector<256x1xi1>, vector<256x1xf32>
    %add3A_270 = arith.addf %select_n3A_269, %add3A_236 : vector<256x1xf32>
    %reduce_sum3A_271 = vector.shape_cast %add3A_270 : vector<256x1xf32> to vector<1x256x1xf32>
    %reduce_sum3A_272 = arith.constant dense<0.000000e+00> : vector<1xf32>
    %reduce_sum3A_273 = vector.multi_reduction <add>, %reduce_sum3A_271, %reduce_sum3A_272 [1, 2] : vector<1x256x1xf32> to vector<1xf32>
    %reduce_sum3A_274 = vector.shape_cast %reduce_sum3A_273 : vector<1xf32> to vector<1x1x1xf32>
    %reduce_sum3A_275 = vector.extract %reduce_sum3A_274[0, 0, 0] : f32 from vector<1x1x1xf32>
    %mul3A_276 = arith.constant 5.96046448E-8 : f32
    %mul3A_277 = arith.mulf %reduce_sum3A_275, %mul3A_276 : f32
    %eq3A_278 = arith.constant 0 : i32
    %eq3A_279 = arith.cmpi eq, %arg0, %eq3A_278 : i32
    %convert_element_type3A = arith.extui %eq3A_279 : i1 to i32
    %cond3A = arith.constant 0 : i32
    %cond3A_280 = arith.cmpi ne, %convert_element_type3A, %cond3A : i32
    scf.if %cond3A_280 {
      %broadcast_in_dim3A_288 = arith.constant 0.000000e+00 : f32
      %broadcast_in_dim3A_289 = vector.broadcast %broadcast_in_dim3A_288 : f32 to vector<8x128xf32>
      %swap3A_290 = arith.constant 0 : index
      %swap3A_291 = arith.constant 0 : index
      %swap3A_292 = vector.load %arg4[%swap3A_290, %swap3A_291] : memref<8x128xf32, #tpu.memory_space<vmem>>, vector<8x128xf32>
      tpu.vector_store %arg4[%swap3A_290, %swap3A_291], %broadcast_in_dim3A_289 {strides = array<i32>} : memref<8x128xf32, #tpu.memory_space<vmem>>, vector<8x128xf32>,
    } else {
    }
    %get3A_281 = arith.constant 0 : index
    %get3A_282 = arith.constant 0 : index
    %get3A_283 = vector.load %arg4[%get3A_281, %get3A_282] : memref<8x128xf32, #tpu.memory_space<vmem>>, vector<8x128xf32>
    %broadcast_in_dim3A_284 = vector.broadcast %mul3A_277 : f32 to vector<8x128xf32>
    %add3A_285 = arith.addf %get3A_283, %broadcast_in_dim3A_284 : vector<8x128xf32>
    %swap3A = arith.constant 0 : index
    %swap3A_286 = arith.constant 0 : index
    %swap3A_287 = vector.load %arg4[%swap3A, %swap3A_286] : memref<8x128xf32, #tpu.memory_space<vmem>>, vector<8x128xf32>
    tpu.vector_store %arg4[%swap3A, %swap3A_286], %add3A_285 {strides = array<i32>} : memref<8x128xf32, #tpu.memory_space<vmem>>, vector<8x128xf32>,
    return
  }
  func.func @transform_0(%arg0: i32) -> (i32, i32) {
    %c0_i32 = arith.constant 0 : i32
    %c0_i32_0 = arith.constant 0 : i32
    return %arg0, %c0_i32 : i32, i32
  }
  func.func @transform_1(%arg0: i32) -> (i32, i32) {
    %c0_i32 = arith.constant 0 : i32
    %c0_i32_0 = arith.constant 0 : i32
    return %arg0, %c0_i32 : i32, i32
  }
  func.func @transform_2(%arg0: i32) -> (i32, i32) {
    %c0_i32 = arith.constant 0 : i32
    %c0_i32_0 = arith.constant 0 : i32
    return %arg0, %c0_i32 : i32, i32
  }
  func.func @transform_3(%arg0: i32) -> (i32, i32) {
    %c0_i32 = arith.constant 0 : i32
    %c0_i32_0 = arith.constant 0 : i32
    %c0_i32_1 = arith.constant 0 : i32
    return %c0_i32, %c0_i32_0 : i32, i32
  }
}

</mosaic_0001>

<sc_bundles>
// kernel: kernel.4.cloned.1.call-start
scs
__scs_entry_jumppad:
0x0: {  	(pc) =	sbr.rel $0x88, $3  }
0x1: {  	(tag) =	ssettag $0x0;
	lr =	simm.s32 $0x1  }
0x2: {  	[smem:$0x3F9F] =	sst lr;
	_ =	strace $0xD0000000  }
0x3: {  	_ = 	snop  }
0x4: {  	_ = 	snop  }
0x5: {  	_ = 	snop  }
0x6: {  	_ = 	snop  }
0x7: {  	_ = 	snop  }
__scs_overlays_trampoline_lowered:
0x8: {  	[smem:$0x3FAE] =	sst s0  }
0x9: {  	[smem:$0x3FAF] =	sst s1  }
0xa: {  	[smem:$0x3FB0] =	sst s2  }
0xb: {  	[smem:$0x3FB1] =	sst s3  }
0xc: {  	[smem:$0x3FB2] =	sst s4  }
0xd: {  	[smem:$0x3FB3] =	sst s5  }
0xe: {  	[smem:$0x3FB4] =	sst s6  }
0xf: {  	[smem:$0x3FB5] =	sst s7  }
0x10: {  	[smem:$0x3FB6] =	sst s8  }
0x11: {  	[smem:$0x3FB7] =	sst s9;
	s0 =	simm.s32 @!p0 $0x0  }
0x12: {  	s1 =	sld [smem:$0x3F9D];
	s0 =	simm.s32 @p0 $0x1  }
0x13: {  	[smem:$0x3FB8] =	sst s0;
	s0 =	simm.s32 @!p1 $0x0  }
0x14: {  	s2 =	sld [smem:$0x3F9C];
	s0 =	simm.s32 @p1 $0x1  }
0x15: {  	[smem:$0x3FB9] =	sst s0;
	s0 =	simm.s32 @!p2 $0x0  }
0x16: {  	s3 =	sld [smem:$0x3FDB];
	s0 =	simm.s32 @p2 $0x1  }
0x17: {  	s4 =	simm.s32 $0x1BF5;
	[smem:$0x3FBB] =	sst s0  }
0x18: {  	s0 =	sld [smem:$0x3F9E];
	_ =	swait.ge [sflag:s4], $0x0  }
0x19: {  	s7 =	sld [smem:$0x3F9F]  }
0x1a: {  	s8 =	sadd.s32 $0xFFFFE003, lr  }
0x1b: {  	s9 =	sadd.s32 $0xFFFFFEF7, lr;
	s5 =	simm.s32 $0xFFFFFFFF;
	p2 =	slt.u32 s8, $0xFFFFF086  }
0x1c: {  	p1 =	slt.u32 s9, $0xF7A;
	s5 =	simm.s32 @!p2 $0x0  }
0x1d: {  	s5 =	simm.s32 @p1 $0x1;
	p0 =	seq.s32 s7, s2  }
0x1e: {  	s7 =	smul.u32 @!p0 $0xF7A, s2;
	p2 =	seq.s32 @!p0 s5, $0x0  }
0x1f: {  	s9 =	smul.u32 $0xF7A, s1;
	s8 =	simm.s32 @!p0 $0x1BF5;
	p2 =	por !p2, p0  }
0x20: {  	[sflag:s8] =	ssyncset.s32 @!p0 $0xFFFFF086;
	s6 =	sadd.s32 @!p0 s3, s7;
	s7 =	simm.s32 @!p0 $0x108  }
0x21: {  	s3 =	sadd.s32 s3, s9;
	s6 =	sadd.s32 @!p0 $0x88, s6;
	s7 =	simm.s32 @p2 $0x1082  }
0x22: {  	[simem:s7], [sflag:s8] =	dma.local @!p0 [hbm:s6], $0xF7A  }
0x23: {  	s9 =	sor.u32 $0xD0000000, s2;
	s6 =	simm.s32 $0x108;
	_ =	swait.ge @!p0 [sflag:s8], $0x0  }
0x24: {  	s3 =	sadd.s32 $0x88, s3;
	s6 =	simm.s32 @!p1 $0x1082;
	[sflag:s4] =	ssyncset.s32 $0xFFFFF086  }
0x25: {  	[simem:s6], [sflag:s4] =	dma.local [hbm:s3], $0xF7A  }
0x26: {  	[smem:$0x3F9F] =	sst s1;
	(tag) =	ssettag s2;
	_ =	strace s9  }
0x27: {  	s1 =	sld [smem:$0x3FAF]  }
0x28: {  	s2 =	sld [smem:$0x3FB0]  }
0x29: {  	s4 =	sld [smem:$0x3FB2]  }
0x2a: {  	p0 =	seq.s32 s5, $0x0;
	s5 =	sld [smem:$0x3FB3]  }
0x2b: {  	s6 =	sld [smem:$0x3FB4]  }
0x2c: {  	s7 =	sld [smem:$0x3FB5]  }
0x2d: {  	s3 =	simm.s32 $0x108;
	s8 =	sld [smem:$0x3FB6]  }
0x2e: {  	s3 =	simm.s32 @!p0 $0x1082;
	s9 =	sld [smem:$0x3FB7]  }
0x2f: {  	lr =	sadd.s32 s0, s3;
	s0 =	sld [smem:$0x3FAE]  }
0x30: {  	s3 =	sld [smem:$0x3FB1]  }
0x31: {  	[smem:$0x3FBA] =	sst s10  }
0x32: {  	s10 =	sld [smem:$0x3FB8];
	_ =	sdelay $0x3  }
0x33: {  	p0 =	seq.s32 s10, $0x1;
	s10 =	sld [smem:$0x3FBA];
	_ =	sdelay $0x3  }
0x34: {  	[smem:$0x3FBA] =	sst s10  }
0x35: {  	s10 =	sld [smem:$0x3FB9];
	_ =	sdelay $0x3  }
0x36: {  	p1 =	seq.s32 s10, $0x1;
	s10 =	sld [smem:$0x3FBA];
	_ =	sdelay $0x3  }
0x37: {  	[smem:$0x3FBA] =	sst s10  }
0x38: {  	s10 =	sld [smem:$0x3FBB]  }
0x39: {  	_ = 	snop;
	(pc) =	sbr.ind lr, $3  }
0x3a: {  	_ = 	snop  }
0x3b: {  	_ = 	snop  }
0x3c: {  	p2 =	seq.s32 s10, $0x1;
	s10 =	sld [smem:$0x3FBA]  }
0x3d: {  	_ =	shalt  }
0x3e: {  	_ =	shalt  }
0x3f: {  	_ =	shalt  }
0x40: {  	_ =	shalt  }
0x41: {  	_ =	shalt  }
0x42: {  	_ =	shalt  }
0x43: {  	_ =	shalt  }
0x44: {  	_ =	shalt  }
0x45: {  	_ =	shalt  }
0x46: {  	_ =	shalt  }
0x47: {  	_ =	shalt  }
0x48: {  	_ =	shalt  }
0x49: {  	_ =	shalt  }
0x4a: {  	_ =	shalt  }
0x4b: {  	_ =	shalt  }
0x4c: {  	_ =	shalt  }
0x4d: {  	_ =	shalt  }
0x4e: {  	_ =	shalt  }
0x4f: {  	_ =	shalt  }
0x50: {  	_ =	shalt  }
0x51: {  	_ =	shalt  }
0x52: {  	_ =	shalt  }
0x53: {  	_ =	shalt  }
0x54: {  	_ =	shalt  }
0x55: {  	_ =	shalt  }
0x56: {  	_ =	shalt  }
0x57: {  	_ =	shalt  }
0x58: {  	_ =	shalt  }
0x59: {  	_ =	shalt  }
0x5a: {  	_ =	shalt  }
0x5b: {  	_ =	shalt  }
0x5c: {  	_ =	shalt  }
0x5d: {  	_ =	shalt  }
0x5e: {  	_ =	shalt  }
0x5f: {  	_ =	shalt  }
0x60: {  	_ =	shalt  }
0x61: {  	_ =	shalt  }
0x62: {  	_ =	shalt  }
0x63: {  	_ =	shalt  }
0x64: {  	_ =	shalt  }
0x65: {  	_ =	shalt  }
0x66: {  	_ =	shalt  }
0x67: {  	_ =	shalt  }
0x68: {  	_ =	shalt  }
0x69: {  	_ =	shalt  }
0x6a: {  	_ =	shalt  }
0x6b: {  	_ =	shalt  }
0x6c: {  	_ =	shalt  }
0x6d: {  	_ =	shalt  }
0x6e: {  	_ =	shalt  }
0x6f: {  	_ =	shalt  }
0x70: {  	_ =	shalt  }
0x71: {  	_ =	shalt  }
0x72: {  	_ =	shalt  }
0x73: {  	_ =	shalt  }
0x74: {  	_ =	shalt  }
0x75: {  	_ =	shalt  }
0x76: {  	_ =	shalt  }
0x77: {  	_ =	shalt  }
0x78: {  	_ =	shalt  }
0x79: {  	_ =	shalt  }
0x7a: {  	_ =	shalt  }
0x7b: {  	_ =	shalt  }
0x7c: {  	_ =	shalt  }
0x7d: {  	_ =	shalt  }
0x7e: {  	_ =	shalt  }
0x7f: {  	_ =	shalt  }
0x80: {  	_ =	shalt  }
0x81: {  	_ =	shalt  }
0x82: {  	_ =	shalt  }
0x83: {  	_ =	shalt  }
0x84: {  	_ =	shalt  }
0x85: {  	_ =	shalt  }
0x86: {  	_ =	shalt  }
0x87: {  	_ =	shalt  }
.Lfunc_end0:
.L_simem_size_0:
called_computation_lowered:
.L_overlay_start_0:
0x88: {  	s2 =	sld [smem:$0x3FD9]  }
0x89: {  	s3 =	sld [smem:$0x3FFE];
	_ =	sdelay $0x1  }
0x8a: {  	s1 =	srdreg.scid  }
0x8b: {  	s0 =	sand.u32 $0x1, s1  }
0x8c: {  	s17 =	sshll.u32 s0, $0xA;
	s2 =	sadd.s32 s3, s2  }
0x8d: {  	s2 =	sadd.s32 s2, s17  }
0x8e: {  	[smem:$0x3FC6] =	sst s2  }
0x8f: {  	_ = 	snop  }
0x90: {  	s2 =	sld [smem:$0x3FC8];
	(tm) =	ssettm $0x1  }
0x91: {  	s18 =	sld [smem:$0x3FFB];
	_ =	sdelay $0x3  }
0x92: {  	_ =	strace s18  }
0x93: {  	s3 =	sld [smem:$0x3FFC];
	_ =	sdelay $0x3  }
0x94: {  	_ =	strace s3  }
0x95: {  	s3 =	sld [smem:$0x3FFD];
	_ =	sdelay $0x3  }
0x96: {  	_ =	strace s3  }
0x97: {  	_ =	strace $0x8FFFFFFF  }
0x98: {  	s19 =	sld [smem:$0x3FDB];
	_ =	sdelay $0x1  }
0x99: {  	s4 =	simm.s32 $_scs_section_size  }
0x9a: {  	s5 =	simm.s32 $_size__tile_overlayer_lowered;
	s6 =	simm.s32 $_tile_overlayer_lowered  }
0x9b: {  	s22 =	simm.s32 $0x1BFF;
	s21 =	sshll.u32 s6, $0x1;
	s3 =	sadd.s32 s4, s19  }
0x9c: {  	s7 =	simm.s32 $0x0;
	s20 =	sshll.u32 s5, $0x1;
	s5 =	sadd.s32 s21, s3  }
0x9d: {  	[timem:s7], [sflag:s22] =	dma.local [hbm:s5], s20  }
0x9e: {  	_ =	swait.ge [sflag:s22], s20  }
0x9f: {  	s4 =	ssub.s32 $0x0, s20;
	[sflag:s22] =	ssyncset.done $0x0  }
0xa0: {  	[sflag:s22] =	ssyncadd.s32 s4;
	_ =	sdelay $0x1  }
0xa1: {  	s23 =	simm.s32 $0x1B8B  }
0xa2: {  	_ =	swait.ge [sflag:s23], $0x1  }
0xa3: {  	[sflag:s23] =	ssyncset.done $0x0  }
0xa4: {  	s25 =	simm.s32 $0x1B8E;
	s24 =	sld [smem:$0x3FFE];
	[sflag:s23] =	ssyncadd.s32 $0xFFFFFFFF  }
0xa5: {  	s26 =	simm.s32 $execute0_lowered;
	[smem:$0x3FD2] =	sst s25  }
0xa6: {  	s5 =	sshll.u32 s26, $0x1;
	_ =	strace $0x80000046;
	[dreg:$0x1] =	wrdreg $0xFFFFFFFF  }
0xa7: {  	s28 =	simm.s32 $_size_execute0_lowered;
	s3 =	sadd.s32 s3, s5;
	[dreg:$0x0] =	wrdreg $0x0  }
0xa8: {  	s5 =	sshll.u32 s28, $0x1;
	[dreg:$0x2] =	wrdreg s3  }
0xa9: {  	[dreg:$0x3] =	wrdreg s5  }
0xaa: {  	[dreg:$0x4] =	wrdreg $0xC0  }
0xab: {  	_ =	task [dreg:s7], $0x5FFFF  }
0xac: {  	[dreg:$0x1] =	wrdreg $0xFFFFFFFF  }
0xad: {  	[dreg:$0x0] =	wrdreg $0x60  }
0xae: {  	[dreg:$0x2] =	wrdreg s24  }
0xaf: {  	[dreg:$0x3] =	wrdreg s2  }
0xb0: {  	[dreg:$0x4] =	wrdreg $0x9  }
0xb1: {  	_ =	task.clear_ibuf [dreg:s7], $0x5FFFF;
	_ =	strace $0x90000046  }
0xb2: {  	s29 =	simm.s32 $0x9;
	_ =	strace $0x80000048  }
0xb3: {  	_ =	swait.ge [sflag:s29], $0x1  }
0xb4: {  	[sflag:s29] =	ssyncadd.s32 $0xFFFFFFFF  }
0xb5: {  	_ =	strace $0x90000048  }
0xb6: {  	_ =	sfence  }
0xb7: {  	s30 =	sld [smem:$0x0];
	_ =	sdelay $0x2  }
0xb8: {  	s31 =	sshll.u32 s1, $0xD;
	s1 =	sshrl.u32 s1, $0x2  }
0xb9: {  	s3 =	sand.u32 $0x4000, s31;
	s1 =	sadd.s32 s1, s30  }
0xba: {  	s0 =	sor.u32 s3, s0;
	s1 =	sshll.u32 s1, $0x11  }
0xbb: {  	s0 =	sor.u32 s1, s0  }
0xbc: {  	s0 =	sadd.s32 $0x8F2B, s0  }
0xbd: {  	[sflag:s0] =	ssyncadd.remote.s32 $0x1  }
0xbe: {  	_ =	sfence.sel $0xFFFF  }
0xbf: {  	[dreg:$0x0] =	wrdreg $0xFFFFFFFF;
	(pc) =	sbr.abs _section_cstart, $3  }
0xc0: {  	[dreg:$0x1] =	wrdreg $0xFFFFFFFF  }
0xc1: {  	_ =	task.clear_ibuf [dreg:s7], $0x2FFFF;
	_ =	strace $0x9FFFFFFF  }
0xc2: {  	(tm) =	ssettm $0x7FFFFFFF  }
0xc3: {  	_ =	shalt  }
tec
execute0_lowered:
.L_overlay_start_1:
0x0: {  	(tag) =	ssettag $0x1  }
0x1: {  	s1 =	srdreg.scid  }
0x2: {  	s6 =	rddreg [dreg:$0x0];
	s0 =	stileid.u32;
	s5 =	sand.u32 $0x1, s1  }
0x3: {  	s3 =	rddreg [dreg:$0x1];
	s4 =	sshll.u32 s0, $0x8;
	s7 =	sshll.u32 s5, $0x7  }
0x4: {  	s2 =	simm.s32 $0x0;
	s1 =	rddreg [dreg:$0x2];
	s7 =	sor.u32 s7, s4  }
0x5: {  	[smem:$0x7FF] =	sst s2;
	s4 =	sshrl.u32 s7, $0x3  }
0x6: {  	_ =	strace $0x80000047;
	s4 =	sadd.s32 s3, s4;
	s3 =	simm.s32 $0x2  }
0x7: {  	[tilespmem:s2], [sflag:$0x2] =	stream.linear.gather [hbm4b:s4+s2], $0x80, $0x38;
	[tilespmem:$0x4100] =	vst v63  }
0x8: {  	_ =	swait.ge [sflag:s3], $0x80  }
0x9: {  	[sflag:s3] =	ssyncset.done $0x0  }
0xa: {  	[sflag:s3] =	ssyncadd.s32 $0xFFFFFF80  }
0xb: {  	v0 =	vlaneseq.u32;
	v1 =	vmov s7;
	s8 =	sor.u32 $0x10, s7;
	v5 =	vld [tilespmem:$0x50]  }
0xc: {  	v7 =	vmul.u32 $0x40, v0;
	s25 =	sor.u32 $0x20, s7;
	s26 =	sor.u32 $0x30, s7;
	s28 =	sor.u32 $0x50, s7;
	v0 =	vshll.u32 v1, $0x6;
	v1 =	vmov s8;
	v6 =	vld [tilespmem:$0x30]  }
0xd: {  	s9 =	sor.u32 $0x40, s7;
	s29 =	sor.u32 $0x60, s7;
	v2 =	vmov s25;
	v3 =	vmov s26;
	v4 =	vmov s28;
	v8 =	vld [tilespmem:$0x20]  }
0xe: {  	v10 =	vmov s9;
	v14 =	vmov s29;
	v0 =	vor.u32 v7, v0;
	v9 =	vld [tilespmem:$0x10]  }
0xf: {  	s5 =	ssub.s32 $0x2, s5;
	v1 =	vshll.u32 v1, $0x6;
	v2 =	vshll.u32 v2, $0x6;
	v3 =	vshll.u32 v3, $0x6;
	v11 =	vld [tilespmem:$0x40]  }
0x10: {  	s30 =	sshrl.u32 s5, $0x1;
	v4 =	vshll.u32 v4, $0x6;
	v10 =	vshll.u32 v10, $0x6;
	v14 =	vshll.u32 v14, $0x6;
	v12 =	vld [tilespmem:$0x0]  }
0x11: {  	s8 =	ssub.s32 s5, s30;
	v3 =	vor.u32 v7, v3;
	v4 =	vor.u32 v7, v4;
	v13 =	vshra.s32 v5, $0x7  }
0x12: {  	s10 =	smax.u32 s8, $0x1;
	v63 =	vld [tilespmem:$0x60];
	v5 =	vor.u32 v7, v10;
	v6 =	vshra.s32 v6, $0x7;
	v10 =	vadd.s32 v4, v13  }
0x13: {  	v2 =	vor.u32 v7, v2;
	p0 =	sne.s32 s10, $0x1;
	v8 =	vshra.s32 v8, $0x7;
	v6 =	vadd.s32 v3, v6;
	[tilespmem:$0xD0] =	vst v10;
	v10 =	vld [tilespmem:$0x70]  }
.Ltmp0:
0x14: {  	v1 =	vor.u32 v7, v1;
	v9 =	vshra.s32 v9, $0x7;
	v8 =	vadd.s32 v2, v8;
	[tilespmem:$0xB0] =	vst v6;
	(pc) =	sbr.rel @!p0 .LBB2_2-.Ltmp0, $4  }
0x15: {  	s31 =	sshll.u32 s7, $0x4;
	s7 =	sor.u32 $0x70, s7;
	v12 =	vshra.s32 v12, $0x7;
	v9 =	vadd.s32 v1, v9;
	[tilespmem:$0xA0] =	vst v8;
	v8 =	vshra.s32 v11, $0x7  }
0x16: {  	s5 =	sadd.s32 $0x800, s6;
	s6 =	sadd.s32 s31, s6;
	v6 =	vor.u32 v7, v14;
	v11 =	vmov s7;
	[tilespmem:$0x90] =	vst v9;
	v8 =	vadd.s32 v5, v8  }
0x17: {  	s9 =	simm.s32 $0x1;
	s6 =	sadd.s32 $0x400800, s6;
	v9 =	vshll.u32 v11, $0x6;
	v11 =	vadd.s32 v0, v12;
	[tilespmem:$0xC0] =	vst v8;
	v8 =	vshra.s32 v63, $0x7  }
0x18: {  	s8 =	simm.s32 $0x100;
	s10 =	sadd.s32 $0xFFFFFFFF, s10;
	s7 =	simm.s32 $0x80;
	v7 =	vor.u32 v7, v9;
	[tilespmem:$0x80] =	vst v11;
	v8 =	vadd.s32 v6, v8;
	v9 =	vshra.s32 v10, $0x7  }
.LBB2_1:
0x19: {  	p0 =	sne.s32 s10, $0x1;
	s10 =	sadd.s32 $0xFFFFFFFF, s10;
	[tilespmem:$0xE0] =	vst v8;
	v8 =	vadd.s32 v7, v9  }
0x1a: {  	[tilespmem:$0xF0] =	vst v8  }
0x1b: {  	[tilespmem:s8], [sflag:$0x1] =	stream.indirect.gather [hbm4b:s5+s7], $0x80, s7, s7, $0xb8;
	[tilespmem:$0x4100] =	vst v63  }
0x1c: {  	_ =	swait.ge [sflag:s9], $0x4000  }
0x1d: {  	[sflag:s9] =	ssyncset.done $0x0  }
0x1e: {  	[sflag:s9] =	ssyncadd.s32 $0xFFFFC000  }
0x1f: {  	[hbm4b:s6+s2] =	stream.linear.scatter [tilespmem:s8], [sflag:$0x2], $0x4000, $0x38;
	[tilespmem:$0x4100] =	vst v63  }
0x20: {  	_ =	swait.ge [sflag:s3], $0x4000  }
0x21: {  	[sflag:s3] =	ssyncset.done $0x0  }
0x22: {  	[sflag:s3] =	ssyncadd.s32 $0xFFFFC000  }
0x23: {  	[tilespmem:s2], [sflag:$0x2] =	stream.linear.gather [hbm4b:s4+s2], $0x80, $0x38;
	[tilespmem:$0x4100] =	vst v63  }
0x24: {  	_ =	swait.ge [sflag:s3], $0x80  }
0x25: {  	[sflag:s3] =	ssyncset.done $0x0  }
0x26: {  	[sflag:s3] =	ssyncadd.s32 $0xFFFFFF80  }
0x27: {  	v8 =	vld [tilespmem:$0x50]  }
0x28: {  	v9 =	vld [tilespmem:$0x30]  }
0x29: {  	v10 =	vld [tilespmem:$0x20]  }
0x2a: {  	v11 =	vld [tilespmem:$0x10]  }
0x2b: {  	v12 =	vld [tilespmem:$0x40]  }
0x2c: {  	v13 =	vld [tilespmem:$0x0];
	v8 =	vshra.s32 v8, $0x7  }
0x2d: {  	v9 =	vshra.s32 v9, $0x7;
	v8 =	vadd.s32 v4, v8;
	v14 =	vld [tilespmem:$0x60]  }
0x2e: {  	v10 =	vshra.s32 v10, $0x7;
	v9 =	vadd.s32 v3, v9;
	[tilespmem:$0xD0] =	vst v8;
	v15 =	vld [tilespmem:$0x70]  }
.Ltmp1:
0x2f: {  	v8 =	vshra.s32 v11, $0x7;
	v10 =	vadd.s32 v2, v10;
	[tilespmem:$0xB0] =	vst v9;
	(pc) =	sbr.rel @p0 .LBB2_1-.Ltmp1, $4  }
0x30: {  	v8 =	vadd.s32 v1, v8;
	[tilespmem:$0xA0] =	vst v10;
	v9 =	vshra.s32 v12, $0x7  }
0x31: {  	v10 =	vshra.s32 v13, $0x7;
	[tilespmem:$0x90] =	vst v8;
	v8 =	vadd.s32 v5, v9  }
0x32: {  	v9 =	vadd.s32 v0, v10;
	[tilespmem:$0xC0] =	vst v8;
	v8 =	vshra.s32 v14, $0x7  }
0x33: {  	[tilespmem:$0x80] =	vst v9;
	v8 =	vadd.s32 v6, v8;
	v9 =	vshra.s32 v15, $0x7  }
.LBB2_2:
0x34: {  	[tilespmem:$0xE0] =	vst v8;
	v0 =	vadd.s32 v7, v9  }
0x35: {  	[tilespmem:$0xF0] =	vst v0  }
0x36: {  	[tilespmem:s8], [sflag:$0x1] =	stream.indirect.gather [hbm4b:s5+s7], $0x80, s7, s7, $0xb8;
	[tilespmem:$0x4100] =	vst v63  }
0x37: {  	_ =	swait.ge [sflag:s9], $0x4000  }
0x38: {  	[sflag:s9] =	ssyncset.done $0x0  }
0x39: {  	[sflag:s9] =	ssyncadd.s32 $0xFFFFC000  }
0x3a: {  	[hbm4b:s6+s2] =	stream.linear.scatter [tilespmem:s8], [sflag:$0x2], $0x4000, $0x38;
	[tilespmem:$0x4100] =	vst v63  }
0x3b: {  	_ =	swait.ge [sflag:s3], $0x4000  }
0x3c: {  	[sflag:s3] =	ssyncset.done $0x0  }
0x3d: {  	[sflag:s3] =	ssyncadd.s32 $0xFFFFC000  }
0x3e: {  	_ =	sfence.sel $0x180000  }
0x3f: {  	[bflag:$0x0] =	sbarrier.arrive $0xFFFF  }
0x40: {  	p0 =	sne.s32 s0, $0x0;
	_ =	strace $0x90000047  }
0x41: {  	s0 =	sadd.s32 @!p0 $0x100000, s1;
	[bflag:$0x2] =	sbarrier.arrive $0xFFFF  }
0x42: {  	[sflag:s0] =	ssyncadd.tile.s32 @!p0 $0x1;
	_ =	shalt  }
.Lfunc_end2:
_tile_overlayer_lowered:
.L_overlay_start_2:
0x43: {  	(tag) =	ssettag $0x2  }
0x44: {  	s0 =	rddreg [dreg:$0x0];
	s2 =	stileid.u32  }
0x45: {  	s1 =	rddreg [dreg:$0x1];
	p0 =	sne.s32 s2, $0x0  }
0x46: {  	s3 =	rddreg [dreg:$0x2];
	[bflag:$0x3] =	sbarrier.arrive $0xFFFF;
	s2 =	simm.s32 @!p0 $0x1C02  }
0x47: {  	[timem:s3], [sflag:s2] =	dma.local @!p0 [hbm:s0], s1  }
0x48: {  	s0 =	simm.s32 @!p0 $0x2  }
0x49: {  	_ =	swait.ge @!p0 [sflag:s0], s1  }
0x4a: {  	s1 =	ssub.s32 @!p0 $0x0, s1;
	[sflag:s0] =	ssyncset.done @!p0 $0x0  }
0x4b: {  	[sflag:s0] =	ssyncadd.s32 @!p0 s1  }
0x4c: {  	[bflag:$0x3] =	sbarrier.arrive $0xFFFF  }
0x4d: {  	_ =	shalt  }

</sc_bundles>
